<compile_context>
chip_gen: v7x
topology: tpu7x:2x2x1
jax: 0.10.2.dev20260603
libtpu: 0.0.44.dev20260713+nightly
codegen_flags: <defaults>
</compile_context>

<pallas_src>
import functools

import jax
import jax.numpy as jnp
from jax import lax
from jax.experimental import pallas as pl
from jax.experimental.pallas import tpu as pltpu
from jax.experimental.pallas import tpu_sc as plsc

B = 16384
D = 64
L = 16

_info = plsc.get_sparse_core_info()
NC, NS = _info.num_cores, _info.num_subcores
NW = NC * NS
BPW = B // NW

_mesh = plsc.VectorSubcoreMesh(core_axis_name="c", subcore_axis_name="s")


@functools.partial(
    pl.kernel,
    mesh=_mesh,
    compiler_params=pltpu.CompilerParams(
        needs_layout_passes=False, use_tc_tiling_on_sc=False),
    out_type=jax.ShapeDtypeStruct((B,), jnp.float32),
    scratch_types=[
        pltpu.VMEM((BPW,), jnp.int32),
        pltpu.VMEM((BPW,), jnp.int32),
        pltpu.VMEM((BPW, D), jnp.float32),
        pltpu.VMEM((BPW, D), jnp.float32),
        pltpu.VMEM((BPW,), jnp.float32),
        pltpu.VMEM((BPW,), jnp.float32),
        pltpu.VMEM((BPW,), jnp.float32),
        pltpu.SemaphoreType.DMA,
    ],
)
def _cf_kernel(uid_hbm, mid_hbm, uemb_hbm, memb_hbm, ub_hbm, mb_hbm,
               out_hbm, uid_v, mid_v, urows, mrows, ub_v, mb_v, out_v, sem):
    wid = lax.axis_index("s") * NC + lax.axis_index("c")
    base = wid * BPW

    pltpu.sync_copy(uid_hbm.at[pl.ds(base, BPW)], uid_v)
    pltpu.sync_copy(mid_hbm.at[pl.ds(base, BPW)], mid_v)

    cp1 = pltpu.async_copy(uemb_hbm.at[uid_v], urows, sem)
    cp2 = pltpu.async_copy(memb_hbm.at[mid_v], mrows, sem)
    cp3 = pltpu.async_copy(ub_hbm.at[uid_v], ub_v, sem)
    cp4 = pltpu.async_copy(mb_hbm.at[mid_v], mb_v, sem)
    cp1.wait()
    cp2.wait()
    cp3.wait()
    cp4.wait()

    def init_body(g, _):
        b0 = g * L
        out_v[pl.ds(b0, L)] = ub_v[pl.ds(b0, L)] + mb_v[pl.ds(b0, L)]
        return 0

    lax.fori_loop(0, BPW // L, init_body, 0)

    def body(b, _):
        p = urows[b, pl.ds(0, L)] * mrows[b, pl.ds(0, L)]
        p = p + urows[b, pl.ds(L, L)] * mrows[b, pl.ds(L, L)]
        p = p + urows[b, pl.ds(2 * L, L)] * mrows[b, pl.ds(2 * L, L)]
        p = p + urows[b, pl.ds(3 * L, L)] * mrows[b, pl.ds(3 * L, L)]
        plsc.addupdate_scatter(out_v, [jnp.full((L,), b, jnp.int32)], p)
        return 0

    lax.fori_loop(0, BPW, body, 0, unroll=4)

    pltpu.sync_copy(out_v, out_hbm.at[pl.ds(base, BPW)])


def kernel(user_ids, movie_ids, user_emb_table, movie_emb_table,
           user_bias_table, movie_bias_table):
    return _cf_kernel(
        user_ids.astype(jnp.int32),
        movie_ids.astype(jnp.int32),
        user_emb_table,
        movie_emb_table,
        user_bias_table.reshape(-1),
        movie_bias_table.reshape(-1),
    )

# --- scband reference (transcript-rebuilt; emitter-appended) ---
"""Pipeline reference for scband-collaborative-filtering-model-84447646974476 (READ-ONLY COPY).

The authoritative reference and input builder live on the scoring server;
editing this copy changes nothing except your own understanding.
"""

import jax, jax.numpy as jnp
import numpy as np

NUM_USERS = 1000000
NUM_MOVIES = 1000000
EMB_DIM = 64
BATCH = 16384

def setup_inputs(seed: int = 0) -> dict:
    key = jax.random.key(seed)
    k1, k2, k3, k4 = jax.random.split(key, 4)
    user_ids = jax.random.randint(k1, (BATCH,), 0, NUM_USERS)
    movie_ids = jax.random.randint(k2, (BATCH,), 0, NUM_MOVIES)
    user_emb_table = 0.01 * jax.random.normal(k3, (NUM_USERS, EMB_DIM), dtype=jnp.float32)
    movie_emb_table = 0.01 * jax.random.normal(k4, (NUM_MOVIES, EMB_DIM), dtype=jnp.float32)
    user_bias_table = jnp.zeros((NUM_USERS, 1), dtype=jnp.float32)
    movie_bias_table = jnp.zeros((NUM_MOVIES, 1), dtype=jnp.float32)
    return {
        "user_ids": user_ids,
        "movie_ids": movie_ids,
        "user_emb_table": user_emb_table,
        "movie_emb_table": movie_emb_table,
        "user_bias_table": user_bias_table,
        "movie_bias_table": movie_bias_table,
    }

def reference(user_ids, movie_ids, user_emb_table, movie_emb_table, user_bias_table, movie_bias_table):
    user_emb = jnp.take(user_emb_table, user_ids, axis=0)      # (B, D)
    movie_emb = jnp.take(movie_emb_table, movie_ids, axis=0)   # (B, D)
    dot_product = (user_emb * movie_emb).sum(axis=1)            # (B,)
    user_b = jnp.take(user_bias_table, user_ids, axis=0).squeeze()
    movie_b = jnp.take(movie_bias_table, movie_ids, axis=0).squeeze()
    prediction = dot_product + user_b + movie_b
    return prediction

if __name__ == "__main__":
    import jax
    _d = setup_inputs()
    print(jax.jit(kernel)(*tuple(_d.values())))

</pallas_src>

<mosaic_0001>
#map = affine_map<(d0, d1) -> (0)>
#map1 = affine_map<(d0, d1) -> (0, 0)>
module attributes {stable_mosaic.version = 14 : i64} {
  func.func @_cf_kernel(%arg0: i32, %arg1: i32, %arg2: memref<16384xi32, #tpu.memory_space<hbm>>, %arg3: memref<16384xi32, #tpu.memory_space<hbm>>, %arg4: memref<1000000x64xf32, #tpu.memory_space<hbm>>, %arg5: memref<1000000x64xf32, #tpu.memory_space<hbm>>, %arg6: memref<1000000xf32, #tpu.memory_space<hbm>>, %arg7: memref<1000000xf32, #tpu.memory_space<hbm>>, %arg8: memref<16384xf32, #tpu.memory_space<hbm>>, %arg9: memref<512xi32, #tpu.memory_space<vmem>>, %arg10: memref<512xi32, #tpu.memory_space<vmem>>, %arg11: memref<512x64xf32, #tpu.memory_space<vmem>>, %arg12: memref<512x64xf32, #tpu.memory_space<vmem>>, %arg13: memref<512xf32, #tpu.memory_space<vmem>>, %arg14: memref<512xf32, #tpu.memory_space<vmem>>, %arg15: memref<512xf32, #tpu.memory_space<vmem>>, %arg16: memref<!tpu.dma_semaphore, #tpu.memory_space<semaphore_mem>>) attributes {dimension_semantics = [#tpu.dimension_semantics<core_parallel>, #tpu.dimension_semantics<subcore_parallel>], iteration_bounds = array<i64: 2, 16>, scalar_prefetch = 0 : i64, scratch_operands = 8 : i64, tpu.core_type = #tpu.core_type<sc_vector_subcore>, window_params = [{transform_indices = #map}, {transform_indices = #map}, {transform_indices = #map1}, {transform_indices = #map1}, {transform_indices = #map}, {transform_indices = #map}, {transform_indices = #map}]} {
    %mul3A = arith.constant 2 : i32
    %mul3A_0 = arith.muli %arg1, %mul3A : i32
    %add3A = arith.addi %mul3A_0, %arg0 : i32
    %mul3A_1 = arith.constant 512 : i32
    %mul3A_2 = arith.muli %add3A, %mul3A_1 : i32
    "tpu.region"() ({
      %run_scoped3A = tpu.sem_alloc : memref<!tpu.dma_semaphore, #tpu.memory_space<semaphore_mem>>
      %dma_start3A_34 = tpu.memref_slice %arg2[%mul3A_2] : memref<16384xi32, #tpu.memory_space<hbm>> -> memref<512xi32, #tpu.memory_space<hbm>>
      %dma_start3A_35 = tpu.memref_slice %arg2[%mul3A_2] : memref<16384xi32, #tpu.memory_space<hbm>> -> memref<512xi32, #tpu.memory_space<hbm>>
      tpu.enqueue_dma source(%dma_start3A_35 : memref<512xi32, #tpu.memory_space<hbm>>) target(%arg9 : memref<512xi32, #tpu.memory_space<vmem>>) target_semaphore(%run_scoped3A : memref<!tpu.dma_semaphore, #tpu.memory_space<semaphore_mem>>)
      %dma_wait3A_36 = tpu.memref_slice %arg2[%mul3A_2] : memref<16384xi32, #tpu.memory_space<hbm>> -> memref<512xi32, #tpu.memory_space<hbm>>
      %dma_wait3A_37 = tpu.memref_slice %arg2[%mul3A_2] : memref<16384xi32, #tpu.memory_space<hbm>> -> memref<512xi32, #tpu.memory_space<hbm>>
      tpu.wait_dma2 semaphore(%run_scoped3A : memref<!tpu.dma_semaphore, #tpu.memory_space<semaphore_mem>>) src(%dma_wait3A_37 : memref<512xi32, #tpu.memory_space<hbm>>) dst(%arg9 : memref<512xi32, #tpu.memory_space<vmem>>)
      tpu.yield
    }) : () -> ()
    "tpu.region"() ({
      %run_scoped3A = tpu.sem_alloc : memref<!tpu.dma_semaphore, #tpu.memory_space<semaphore_mem>>
      %dma_start3A_34 = tpu.memref_slice %arg3[%mul3A_2] : memref<16384xi32, #tpu.memory_space<hbm>> -> memref<512xi32, #tpu.memory_space<hbm>>
      %dma_start3A_35 = tpu.memref_slice %arg3[%mul3A_2] : memref<16384xi32, #tpu.memory_space<hbm>> -> memref<512xi32, #tpu.memory_space<hbm>>
      tpu.enqueue_dma source(%dma_start3A_35 : memref<512xi32, #tpu.memory_space<hbm>>) target(%arg10 : memref<512xi32, #tpu.memory_space<vmem>>) target_semaphore(%run_scoped3A : memref<!tpu.dma_semaphore, #tpu.memory_space<semaphore_mem>>)
      %dma_wait3A_36 = tpu.memref_slice %arg3[%mul3A_2] : memref<16384xi32, #tpu.memory_space<hbm>> -> memref<512xi32, #tpu.memory_space<hbm>>
      %dma_wait3A_37 = tpu.memref_slice %arg3[%mul3A_2] : memref<16384xi32, #tpu.memory_space<hbm>> -> memref<512xi32, #tpu.memory_space<hbm>>
      tpu.wait_dma2 semaphore(%run_scoped3A : memref<!tpu.dma_semaphore, #tpu.memory_space<semaphore_mem>>) src(%dma_wait3A_37 : memref<512xi32, #tpu.memory_space<hbm>>) dst(%arg10 : memref<512xi32, #tpu.memory_space<vmem>>)
      tpu.yield
    }) : () -> ()
    %dma_start3A = arith.constant 0 : i32
    %dma_start3A_3 = arith.constant 0 : i32
    %dma_start3A_4 = tpu.memref_slice %arg4[%dma_start3A, %dma_start3A_3] : memref<1000000x64xf32, #tpu.memory_space<hbm>> -> memref<1000000x64xf32, #tpu.memory_space<hbm>>
    tpu.enqueue_indirect_dma source(%dma_start3A_4 : memref<1000000x64xf32, #tpu.memory_space<hbm>>) target(%arg11 : memref<512x64xf32, #tpu.memory_space<vmem>>) offsets(%arg9 : memref<512xi32, #tpu.memory_space<vmem>>) semaphore(%arg16 : memref<!tpu.dma_semaphore, #tpu.memory_space<semaphore_mem>>)
    %dma_start3A_5 = arith.constant 0 : i32
    %dma_start3A_6 = arith.constant 0 : i32
    %dma_start3A_7 = tpu.memref_slice %arg5[%dma_start3A_5, %dma_start3A_6] : memref<1000000x64xf32, #tpu.memory_space<hbm>> -> memref<1000000x64xf32, #tpu.memory_space<hbm>>
    tpu.enqueue_indirect_dma source(%dma_start3A_7 : memref<1000000x64xf32, #tpu.memory_space<hbm>>) target(%arg12 : memref<512x64xf32, #tpu.memory_space<vmem>>) offsets(%arg10 : memref<512xi32, #tpu.memory_space<vmem>>) semaphore(%arg16 : memref<!tpu.dma_semaphore, #tpu.memory_space<semaphore_mem>>)
    %dma_start3A_8 = arith.constant 0 : i32
    %dma_start3A_9 = tpu.memref_slice %arg6[%dma_start3A_8] : memref<1000000xf32, #tpu.memory_space<hbm>> -> memref<1000000xf32, #tpu.memory_space<hbm>>
    tpu.enqueue_indirect_dma source(%dma_start3A_9 : memref<1000000xf32, #tpu.memory_space<hbm>>) target(%arg13 : memref<512xf32, #tpu.memory_space<vmem>>) offsets(%arg9 : memref<512xi32, #tpu.memory_space<vmem>>) semaphore(%arg16 : memref<!tpu.dma_semaphore, #tpu.memory_space<semaphore_mem>>)
    %dma_start3A_10 = arith.constant 0 : i32
    %dma_start3A_11 = tpu.memref_slice %arg7[%dma_start3A_10] : memref<1000000xf32, #tpu.memory_space<hbm>> -> memref<1000000xf32, #tpu.memory_space<hbm>>
    tpu.enqueue_indirect_dma source(%dma_start3A_11 : memref<1000000xf32, #tpu.memory_space<hbm>>) target(%arg14 : memref<512xf32, #tpu.memory_space<vmem>>) offsets(%arg10 : memref<512xi32, #tpu.memory_space<vmem>>) semaphore(%arg16 : memref<!tpu.dma_semaphore, #tpu.memory_space<semaphore_mem>>)
    %dma_wait3A = arith.constant 0 : i32
    %dma_wait3A_12 = arith.constant 0 : i32
    %dma_wait3A_13 = tpu.memref_slice %arg4[%dma_wait3A, %dma_wait3A_12] : memref<1000000x64xf32, #tpu.memory_space<hbm>> -> memref<1000000x64xf32, #tpu.memory_space<hbm>>
    tpu.wait_indirect_dma semaphore(%arg16 : memref<!tpu.dma_semaphore, #tpu.memory_space<semaphore_mem>>) src(%dma_wait3A_13 : memref<1000000x64xf32, #tpu.memory_space<hbm>>) dst(%arg11 : memref<512x64xf32, #tpu.memory_space<vmem>>)
    %dma_wait3A_14 = arith.constant 0 : i32
    %dma_wait3A_15 = arith.constant 0 : i32
    %dma_wait3A_16 = tpu.memref_slice %arg5[%dma_wait3A_14, %dma_wait3A_15] : memref<1000000x64xf32, #tpu.memory_space<hbm>> -> memref<1000000x64xf32, #tpu.memory_space<hbm>>
    tpu.wait_indirect_dma semaphore(%arg16 : memref<!tpu.dma_semaphore, #tpu.memory_space<semaphore_mem>>) src(%dma_wait3A_16 : memref<1000000x64xf32, #tpu.memory_space<hbm>>) dst(%arg12 : memref<512x64xf32, #tpu.memory_space<vmem>>)
    %dma_wait3A_17 = arith.constant 0 : i32
    %dma_wait3A_18 = tpu.memref_slice %arg6[%dma_wait3A_17] : memref<1000000xf32, #tpu.memory_space<hbm>> -> memref<1000000xf32, #tpu.memory_space<hbm>>
    tpu.wait_indirect_dma semaphore(%arg16 : memref<!tpu.dma_semaphore, #tpu.memory_space<semaphore_mem>>) src(%dma_wait3A_18 : memref<1000000xf32, #tpu.memory_space<hbm>>) dst(%arg13 : memref<512xf32, #tpu.memory_space<vmem>>)
    %dma_wait3A_19 = arith.constant 0 : i32
    %dma_wait3A_20 = tpu.memref_slice %arg7[%dma_wait3A_19] : memref<1000000xf32, #tpu.memory_space<hbm>> -> memref<1000000xf32, #tpu.memory_space<hbm>>
    tpu.wait_indirect_dma semaphore(%arg16 : memref<!tpu.dma_semaphore, #tpu.memory_space<semaphore_mem>>) src(%dma_wait3A_20 : memref<1000000xf32, #tpu.memory_space<hbm>>) dst(%arg14 : memref<512xf32, #tpu.memory_space<vmem>>)
    %scan3A = arith.constant 0 : i32
    %scan3A_21 = arith.constant 0 : i32
    %scan3A_22 = arith.constant 32 : i32
    %scan3A_23 = arith.addi %scan3A_21, %scan3A_22 : i32
    %scan3A_24 = arith.constant 1 : i32
    %scan3A_25 = scf.for %scan3A_34 = %scan3A_21 to %scan3A_23 step %scan3A_24 iter_args(%scan3A_35 = %scan3A) -> (i32)  : i32 {
      %mul3A_36 = arith.constant 16 : i32
      %mul3A_37 = arith.muli %scan3A_34, %mul3A_36 : i32
      %get3A = arith.index_cast %mul3A_37 : i32 to index
      %get3A_38 = tpu.vector_load %arg13[%get3A] {strides = array<i32>} : memref<512xf32, #tpu.memory_space<vmem>>, vector<16xf32>,
      %get3A_39 = arith.index_cast %mul3A_37 : i32 to index
      %get3A_40 = tpu.vector_load %arg14[%get3A_39] {strides = array<i32>} : memref<512xf32, #tpu.memory_space<vmem>>, vector<16xf32>,
      %add3A_41 = arith.addf %get3A_38, %get3A_40 : vector<16xf32>
      %swap3A = arith.index_cast %mul3A_37 : i32 to index
      %swap3A_42 = tpu.vector_load %arg15[%swap3A] {strides = array<i32>} : memref<512xf32, #tpu.memory_space<vmem>>, vector<16xf32>,
      tpu.vector_store %arg15[%swap3A], %add3A_41 {strides = array<i32>} : memref<512xf32, #tpu.memory_space<vmem>>, vector<16xf32>,
      %scan3A_43 = arith.constant 0 : i32
      scf.yield %scan3A_43 : i32
    }
    %scan3A_26 = arith.constant 32 : i32
    %scan3A_27 = arith.constant 0 : i32
    %scan3A_28 = arith.constant 0 : i32
    %scan3A_29 = arith.constant 512 : i32
    %scan3A_30 = arith.addi %scan3A_28, %scan3A_29 : i32
    %scan3A_31 = arith.constant 4 : i32
    %scan3A_32 = scf.for %scan3A_34 = %scan3A_28 to %scan3A_30 step %scan3A_31 iter_args(%scan3A_35 = %scan3A_27) -> (i32)  : i32 {
      %get3A = arith.index_cast %scan3A_34 : i32 to index
      %get3A_36 = arith.constant 0 : index
      %get3A_37 = tpu.vector_load %arg11[%get3A, %get3A_36] {strides = array<i32>} : memref<512x64xf32, #tpu.memory_space<vmem>>, vector<16xf32>,
      %get3A_38 = arith.index_cast %scan3A_34 : i32 to index
      %get3A_39 = arith.constant 0 : index
      %get3A_40 = tpu.vector_load %arg12[%get3A_38, %get3A_39] {strides = array<i32>} : memref<512x64xf32, #tpu.memory_space<vmem>>, vector<16xf32>,
      %mul3A_41 = arith.mulf %get3A_37, %get3A_40 : vector<16xf32>
      %get3A_42 = arith.index_cast %scan3A_34 : i32 to index
      %get3A_43 = arith.constant 16 : index
      %get3A_44 = tpu.vector_load %arg11[%get3A_42, %get3A_43] {strides = array<i32>} : memref<512x64xf32, #tpu.memory_space<vmem>>, vector<16xf32>,
      %get3A_45 = arith.index_cast %scan3A_34 : i32 to index
      %get3A_46 = arith.constant 16 : index
      %get3A_47 = tpu.vector_load %arg12[%get3A_45, %get3A_46] {strides = array<i32>} : memref<512x64xf32, #tpu.memory_space<vmem>>, vector<16xf32>,
      %mul3A_48 = arith.mulf %get3A_44, %get3A_47 : vector<16xf32>
      %add3A_49 = arith.addf %mul3A_41, %mul3A_48 : vector<16xf32>
      %get3A_50 = arith.index_cast %scan3A_34 : i32 to index
      %get3A_51 = arith.constant 32 : index
      %get3A_52 = tpu.vector_load %arg11[%get3A_50, %get3A_51] {strides = array<i32>} : memref<512x64xf32, #tpu.memory_space<vmem>>, vector<16xf32>,
      %get3A_53 = arith.index_cast %scan3A_34 : i32 to index
      %get3A_54 = arith.constant 32 : index
      %get3A_55 = tpu.vector_load %arg12[%get3A_53, %get3A_54] {strides = array<i32>} : memref<512x64xf32, #tpu.memory_space<vmem>>, vector<16xf32>,
      %mul3A_56 = arith.mulf %get3A_52, %get3A_55 : vector<16xf32>
      %add3A_57 = arith.addf %add3A_49, %mul3A_56 : vector<16xf32>
      %get3A_58 = arith.index_cast %scan3A_34 : i32 to index
      %get3A_59 = arith.constant 48 : index
      %get3A_60 = tpu.vector_load %arg11[%get3A_58, %get3A_59] {strides = array<i32>} : memref<512x64xf32, #tpu.memory_space<vmem>>, vector<16xf32>,
      %get3A_61 = arith.index_cast %scan3A_34 : i32 to index
      %get3A_62 = arith.constant 48 : index
      %get3A_63 = tpu.vector_load %arg12[%get3A_61, %get3A_62] {strides = array<i32>} : memref<512x64xf32, #tpu.memory_space<vmem>>, vector<16xf32>,
      %mul3A_64 = arith.mulf %get3A_60, %get3A_63 : vector<16xf32>
      %add3A_65 = arith.addf %add3A_57, %mul3A_64 : vector<16xf32>
      %broadcast_in_dim3A = vector.broadcast %scan3A_34 : i32 to vector<16xi32>
      tpu.vector_store_idx %arg15[%broadcast_in_dim3A], %add3A_65 {add = true} : memref<512xf32, #tpu.memory_space<vmem>>[vector<16xi32>], vector<16xf32>,
      %scan3A_66 = arith.constant 0 : i32
      %scan3A_67 = arith.constant 1 : i32
      %scan3A_68 = arith.addi %scan3A_34, %scan3A_67 : i32
      %get3A_69 = arith.index_cast %scan3A_68 : i32 to index
      %get3A_70 = arith.constant 0 : index
      %get3A_71 = tpu.vector_load %arg11[%get3A_69, %get3A_70] {strides = array<i32>} : memref<512x64xf32, #tpu.memory_space<vmem>>, vector<16xf32>,
      %get3A_72 = arith.index_cast %scan3A_68 : i32 to index
      %get3A_73 = arith.constant 0 : index
      %get3A_74 = tpu.vector_load %arg12[%get3A_72, %get3A_73] {strides = array<i32>} : memref<512x64xf32, #tpu.memory_space<vmem>>, vector<16xf32>,
      %mul3A_75 = arith.mulf %get3A_71, %get3A_74 : vector<16xf32>
      %get3A_76 = arith.index_cast %scan3A_68 : i32 to index
      %get3A_77 = arith.constant 16 : index
      %get3A_78 = tpu.vector_load %arg11[%get3A_76, %get3A_77] {strides = array<i32>} : memref<512x64xf32, #tpu.memory_space<vmem>>, vector<16xf32>,
      %get3A_79 = arith.index_cast %scan3A_68 : i32 to index
      %get3A_80 = arith.constant 16 : index
      %get3A_81 = tpu.vector_load %arg12[%get3A_79, %get3A_80] {strides = array<i32>} : memref<512x64xf32, #tpu.memory_space<vmem>>, vector<16xf32>,
      %mul3A_82 = arith.mulf %get3A_78, %get3A_81 : vector<16xf32>
      %add3A_83 = arith.addf %mul3A_75, %mul3A_82 : vector<16xf32>
      %get3A_84 = arith.index_cast %scan3A_68 : i32 to index
      %get3A_85 = arith.constant 32 : index
      %get3A_86 = tpu.vector_load %arg11[%get3A_84, %get3A_85] {strides = array<i32>} : memref<512x64xf32, #tpu.memory_space<vmem>>, vector<16xf32>,
      %get3A_87 = arith.index_cast %scan3A_68 : i32 to index
      %get3A_88 = arith.constant 32 : index
      %get3A_89 = tpu.vector_load %arg12[%get3A_87, %get3A_88] {strides = array<i32>} : memref<512x64xf32, #tpu.memory_space<vmem>>, vector<16xf32>,
      %mul3A_90 = arith.mulf %get3A_86, %get3A_89 : vector<16xf32>
      %add3A_91 = arith.addf %add3A_83, %mul3A_90 : vector<16xf32>
      %get3A_92 = arith.index_cast %scan3A_68 : i32 to index
      %get3A_93 = arith.constant 48 : index
      %get3A_94 = tpu.vector_load %arg11[%get3A_92, %get3A_93] {strides = array<i32>} : memref<512x64xf32, #tpu.memory_space<vmem>>, vector<16xf32>,
      %get3A_95 = arith.index_cast %scan3A_68 : i32 to index
      %get3A_96 = arith.constant 48 : index
      %get3A_97 = tpu.vector_load %arg12[%get3A_95, %get3A_96] {strides = array<i32>} : memref<512x64xf32, #tpu.memory_space<vmem>>, vector<16xf32>,
      %mul3A_98 = arith.mulf %get3A_94, %get3A_97 : vector<16xf32>
      %add3A_99 = arith.addf %add3A_91, %mul3A_98 : vector<16xf32>
      %broadcast_in_dim3A_100 = vector.broadcast %scan3A_68 : i32 to vector<16xi32>
      tpu.vector_store_idx %arg15[%broadcast_in_dim3A_100], %add3A_99 {add = true} : memref<512xf32, #tpu.memory_space<vmem>>[vector<16xi32>], vector<16xf32>,
      %scan3A_101 = arith.constant 0 : i32
      %scan3A_102 = arith.constant 2 : i32
      %scan3A_103 = arith.addi %scan3A_34, %scan3A_102 : i32
      %get3A_104 = arith.index_cast %scan3A_103 : i32 to index
      %get3A_105 = arith.constant 0 : index
      %get3A_106 = tpu.vector_load %arg11[%get3A_104, %get3A_105] {strides = array<i32>} : memref<512x64xf32, #tpu.memory_space<vmem>>, vector<16xf32>,
      %get3A_107 = arith.index_cast %scan3A_103 : i32 to index
      %get3A_108 = arith.constant 0 : index
      %get3A_109 = tpu.vector_load %arg12[%get3A_107, %get3A_108] {strides = array<i32>} : memref<512x64xf32, #tpu.memory_space<vmem>>, vector<16xf32>,
      %mul3A_110 = arith.mulf %get3A_106, %get3A_109 : vector<16xf32>
      %get3A_111 = arith.index_cast %scan3A_103 : i32 to index
      %get3A_112 = arith.constant 16 : index
      %get3A_113 = tpu.vector_load %arg11[%get3A_111, %get3A_112] {strides = array<i32>} : memref<512x64xf32, #tpu.memory_space<vmem>>, vector<16xf32>,
      %get3A_114 = arith.index_cast %scan3A_103 : i32 to index
      %get3A_115 = arith.constant 16 : index
      %get3A_116 = tpu.vector_load %arg12[%get3A_114, %get3A_115] {strides = array<i32>} : memref<512x64xf32, #tpu.memory_space<vmem>>, vector<16xf32>,
      %mul3A_117 = arith.mulf %get3A_113, %get3A_116 : vector<16xf32>
      %add3A_118 = arith.addf %mul3A_110, %mul3A_117 : vector<16xf32>
      %get3A_119 = arith.index_cast %scan3A_103 : i32 to index
      %get3A_120 = arith.constant 32 : index
      %get3A_121 = tpu.vector_load %arg11[%get3A_119, %get3A_120] {strides = array<i32>} : memref<512x64xf32, #tpu.memory_space<vmem>>, vector<16xf32>,
      %get3A_122 = arith.index_cast %scan3A_103 : i32 to index
      %get3A_123 = arith.constant 32 : index
      %get3A_124 = tpu.vector_load %arg12[%get3A_122, %get3A_123] {strides = array<i32>} : memref<512x64xf32, #tpu.memory_space<vmem>>, vector<16xf32>,
      %mul3A_125 = arith.mulf %get3A_121, %get3A_124 : vector<16xf32>
      %add3A_126 = arith.addf %add3A_118, %mul3A_125 : vector<16xf32>
      %get3A_127 = arith.index_cast %scan3A_103 : i32 to index
      %get3A_128 = arith.constant 48 : index
      %get3A_129 = tpu.vector_load %arg11[%get3A_127, %get3A_128] {strides = array<i32>} : memref<512x64xf32, #tpu.memory_space<vmem>>, vector<16xf32>,
      %get3A_130 = arith.index_cast %scan3A_103 : i32 to index
      %get3A_131 = arith.constant 48 : index
      %get3A_132 = tpu.vector_load %arg12[%get3A_130, %get3A_131] {strides = array<i32>} : memref<512x64xf32, #tpu.memory_space<vmem>>, vector<16xf32>,
      %mul3A_133 = arith.mulf %get3A_129, %get3A_132 : vector<16xf32>
      %add3A_134 = arith.addf %add3A_126, %mul3A_133 : vector<16xf32>
      %broadcast_in_dim3A_135 = vector.broadcast %scan3A_103 : i32 to vector<16xi32>
      tpu.vector_store_idx %arg15[%broadcast_in_dim3A_135], %add3A_134 {add = true} : memref<512xf32, #tpu.memory_space<vmem>>[vector<16xi32>], vector<16xf32>,
      %scan3A_136 = arith.constant 0 : i32
      %scan3A_137 = arith.constant 3 : i32
      %scan3A_138 = arith.addi %scan3A_34, %scan3A_137 : i32
      %get3A_139 = arith.index_cast %scan3A_138 : i32 to index
      %get3A_140 = arith.constant 0 : index
      %get3A_141 = tpu.vector_load %arg11[%get3A_139, %get3A_140] {strides = array<i32>} : memref<512x64xf32, #tpu.memory_space<vmem>>, vector<16xf32>,
      %get3A_142 = arith.index_cast %scan3A_138 : i32 to index
      %get3A_143 = arith.constant 0 : index
      %get3A_144 = tpu.vector_load %arg12[%get3A_142, %get3A_143] {strides = array<i32>} : memref<512x64xf32, #tpu.memory_space<vmem>>, vector<16xf32>,
      %mul3A_145 = arith.mulf %get3A_141, %get3A_144 : vector<16xf32>
      %get3A_146 = arith.index_cast %scan3A_138 : i32 to index
      %get3A_147 = arith.constant 16 : index
      %get3A_148 = tpu.vector_load %arg11[%get3A_146, %get3A_147] {strides = array<i32>} : memref<512x64xf32, #tpu.memory_space<vmem>>, vector<16xf32>,
      %get3A_149 = arith.index_cast %scan3A_138 : i32 to index
      %get3A_150 = arith.constant 16 : index
      %get3A_151 = tpu.vector_load %arg12[%get3A_149, %get3A_150] {strides = array<i32>} : memref<512x64xf32, #tpu.memory_space<vmem>>, vector<16xf32>,
      %mul3A_152 = arith.mulf %get3A_148, %get3A_151 : vector<16xf32>
      %add3A_153 = arith.addf %mul3A_145, %mul3A_152 : vector<16xf32>
      %get3A_154 = arith.index_cast %scan3A_138 : i32 to index
      %get3A_155 = arith.constant 32 : index
      %get3A_156 = tpu.vector_load %arg11[%get3A_154, %get3A_155] {strides = array<i32>} : memref<512x64xf32, #tpu.memory_space<vmem>>, vector<16xf32>,
      %get3A_157 = arith.index_cast %scan3A_138 : i32 to index
      %get3A_158 = arith.constant 32 : index
      %get3A_159 = tpu.vector_load %arg12[%get3A_157, %get3A_158] {strides = array<i32>} : memref<512x64xf32, #tpu.memory_space<vmem>>, vector<16xf32>,
      %mul3A_160 = arith.mulf %get3A_156, %get3A_159 : vector<16xf32>
      %add3A_161 = arith.addf %add3A_153, %mul3A_160 : vector<16xf32>
      %get3A_162 = arith.index_cast %scan3A_138 : i32 to index
      %get3A_163 = arith.constant 48 : index
      %get3A_164 = tpu.vector_load %arg11[%get3A_162, %get3A_163] {strides = array<i32>} : memref<512x64xf32, #tpu.memory_space<vmem>>, vector<16xf32>,
      %get3A_165 = arith.index_cast %scan3A_138 : i32 to index
      %get3A_166 = arith.constant 48 : index
      %get3A_167 = tpu.vector_load %arg12[%get3A_165, %get3A_166] {strides = array<i32>} : memref<512x64xf32, #tpu.memory_space<vmem>>, vector<16xf32>,
      %mul3A_168 = arith.mulf %get3A_164, %get3A_167 : vector<16xf32>
      %add3A_169 = arith.addf %add3A_161, %mul3A_168 : vector<16xf32>
      %broadcast_in_dim3A_170 = vector.broadcast %scan3A_138 : i32 to vector<16xi32>
      tpu.vector_store_idx %arg15[%broadcast_in_dim3A_170], %add3A_169 {add = true} : memref<512xf32, #tpu.memory_space<vmem>>[vector<16xi32>], vector<16xf32>,
      %scan3A_171 = arith.constant 0 : i32
      scf.yield %scan3A_171 : i32
    }
    %scan3A_33 = arith.constant 512 : i32
    "tpu.region"() ({
      %run_scoped3A = tpu.sem_alloc : memref<!tpu.dma_semaphore, #tpu.memory_space<semaphore_mem>>
      %dma_start3A_34 = tpu.memref_slice %arg8[%mul3A_2] : memref<16384xf32, #tpu.memory_space<hbm>> -> memref<512xf32, #tpu.memory_space<hbm>>
      %dma_start3A_35 = tpu.memref_slice %arg8[%mul3A_2] : memref<16384xf32, #tpu.memory_space<hbm>> -> memref<512xf32, #tpu.memory_space<hbm>>
      tpu.enqueue_dma source(%arg15 : memref<512xf32, #tpu.memory_space<vmem>>) target(%dma_start3A_35 : memref<512xf32, #tpu.memory_space<hbm>>) target_semaphore(%run_scoped3A : memref<!tpu.dma_semaphore, #tpu.memory_space<semaphore_mem>>)
      %dma_wait3A_36 = tpu.memref_slice %arg8[%mul3A_2] : memref<16384xf32, #tpu.memory_space<hbm>> -> memref<512xf32, #tpu.memory_space<hbm>>
      %dma_wait3A_37 = tpu.memref_slice %arg8[%mul3A_2] : memref<16384xf32, #tpu.memory_space<hbm>> -> memref<512xf32, #tpu.memory_space<hbm>>
      tpu.wait_dma2 semaphore(%run_scoped3A : memref<!tpu.dma_semaphore, #tpu.memory_space<semaphore_mem>>) src(%arg15 : memref<512xf32, #tpu.memory_space<vmem>>) dst(%dma_wait3A_37 : memref<512xf32, #tpu.memory_space<hbm>>)
      tpu.yield
    }) : () -> ()
    return
  }
}

</mosaic_0001>

<sc_bundles>
// kernel: kernel.3.cloned.1.call-start
scs
__scs_entry_jumppad:
0x0: {  	(pc) =	sbr.rel $0x88, $3  }
0x1: {  	(tag) =	ssettag $0x0;
	lr =	simm.s32 $0x1  }
0x2: {  	[smem:$0x3F9B] =	sst lr;
	_ =	strace $0xD0000000  }
0x3: {  	_ = 	snop  }
0x4: {  	_ = 	snop  }
0x5: {  	_ = 	snop  }
0x6: {  	_ = 	snop  }
0x7: {  	_ = 	snop  }
__scs_overlays_trampoline_lowered:
0x8: {  	[smem:$0x3FAA] =	sst s0  }
0x9: {  	[smem:$0x3FAB] =	sst s1  }
0xa: {  	[smem:$0x3FAC] =	sst s2  }
0xb: {  	[smem:$0x3FAD] =	sst s3  }
0xc: {  	[smem:$0x3FAE] =	sst s4  }
0xd: {  	[smem:$0x3FAF] =	sst s5  }
0xe: {  	[smem:$0x3FB0] =	sst s6  }
0xf: {  	[smem:$0x3FB1] =	sst s7  }
0x10: {  	[smem:$0x3FB2] =	sst s8  }
0x11: {  	[smem:$0x3FB3] =	sst s9;
	s0 =	simm.s32 @!p0 $0x0  }
0x12: {  	s1 =	sld [smem:$0x3F99];
	s0 =	simm.s32 @p0 $0x1  }
0x13: {  	[smem:$0x3FB4] =	sst s0;
	s0 =	simm.s32 @!p1 $0x0  }
0x14: {  	s2 =	sld [smem:$0x3F98];
	s0 =	simm.s32 @p1 $0x1  }
0x15: {  	[smem:$0x3FB5] =	sst s0;
	s0 =	simm.s32 @!p2 $0x0  }
0x16: {  	s3 =	sld [smem:$0x3FDB];
	s0 =	simm.s32 @p2 $0x1  }
0x17: {  	s4 =	simm.s32 $0x1BF5;
	[smem:$0x3FB7] =	sst s0  }
0x18: {  	s0 =	sld [smem:$0x3F9A];
	_ =	swait.ge [sflag:s4], $0x0  }
0x19: {  	s7 =	sld [smem:$0x3F9B]  }
0x1a: {  	s8 =	sadd.s32 $0xFFFFE003, lr  }
0x1b: {  	s9 =	sadd.s32 $0xFFFFFEF7, lr;
	s5 =	simm.s32 $0xFFFFFFFF;
	p2 =	slt.u32 s8, $0xFFFFF086  }
0x1c: {  	p1 =	slt.u32 s9, $0xF7A;
	s5 =	simm.s32 @!p2 $0x0  }
0x1d: {  	s5 =	simm.s32 @p1 $0x1;
	p0 =	seq.s32 s7, s2  }
0x1e: {  	s7 =	smul.u32 @!p0 $0xF7A, s2;
	p2 =	seq.s32 @!p0 s5, $0x0  }
0x1f: {  	s9 =	smul.u32 $0xF7A, s1;
	s8 =	simm.s32 @!p0 $0x1BF5;
	p2 =	por !p2, p0  }
0x20: {  	[sflag:s8] =	ssyncset.s32 @!p0 $0xFFFFF086;
	s6 =	sadd.s32 @!p0 s3, s7;
	s7 =	simm.s32 @!p0 $0x108  }
0x21: {  	s3 =	sadd.s32 s3, s9;
	s6 =	sadd.s32 @!p0 $0x88, s6;
	s7 =	simm.s32 @p2 $0x1082  }
0x22: {  	[simem:s7], [sflag:s8] =	dma.local @!p0 [hbm:s6], $0xF7A  }
0x23: {  	s9 =	sor.u32 $0xD0000000, s2;
	s6 =	simm.s32 $0x108;
	_ =	swait.ge @!p0 [sflag:s8], $0x0  }
0x24: {  	s3 =	sadd.s32 $0x88, s3;
	s6 =	simm.s32 @!p1 $0x1082;
	[sflag:s4] =	ssyncset.s32 $0xFFFFF086  }
0x25: {  	[simem:s6], [sflag:s4] =	dma.local [hbm:s3], $0xF7A  }
0x26: {  	[smem:$0x3F9B] =	sst s1;
	(tag) =	ssettag s2;
	_ =	strace s9  }
0x27: {  	s1 =	sld [smem:$0x3FAB]  }
0x28: {  	s2 =	sld [smem:$0x3FAC]  }
0x29: {  	s4 =	sld [smem:$0x3FAE]  }
0x2a: {  	p0 =	seq.s32 s5, $0x0;
	s5 =	sld [smem:$0x3FAF]  }
0x2b: {  	s6 =	sld [smem:$0x3FB0]  }
0x2c: {  	s7 =	sld [smem:$0x3FB1]  }
0x2d: {  	s3 =	simm.s32 $0x108;
	s8 =	sld [smem:$0x3FB2]  }
0x2e: {  	s3 =	simm.s32 @!p0 $0x1082;
	s9 =	sld [smem:$0x3FB3]  }
0x2f: {  	lr =	sadd.s32 s0, s3;
	s0 =	sld [smem:$0x3FAA]  }
0x30: {  	s3 =	sld [smem:$0x3FAD]  }
0x31: {  	[smem:$0x3FB6] =	sst s10  }
0x32: {  	s10 =	sld [smem:$0x3FB4];
	_ =	sdelay $0x3  }
0x33: {  	p0 =	seq.s32 s10, $0x1;
	s10 =	sld [smem:$0x3FB6];
	_ =	sdelay $0x3  }
0x34: {  	[smem:$0x3FB6] =	sst s10  }
0x35: {  	s10 =	sld [smem:$0x3FB5];
	_ =	sdelay $0x3  }
0x36: {  	p1 =	seq.s32 s10, $0x1;
	s10 =	sld [smem:$0x3FB6];
	_ =	sdelay $0x3  }
0x37: {  	[smem:$0x3FB6] =	sst s10  }
0x38: {  	s10 =	sld [smem:$0x3FB7]  }
0x39: {  	_ = 	snop;
	(pc) =	sbr.ind lr, $3  }
0x3a: {  	_ = 	snop  }
0x3b: {  	_ = 	snop  }
0x3c: {  	p2 =	seq.s32 s10, $0x1;
	s10 =	sld [smem:$0x3FB6]  }
0x3d: {  	_ =	shalt  }
0x3e: {  	_ =	shalt  }
0x3f: {  	_ =	shalt  }
0x40: {  	_ =	shalt  }
0x41: {  	_ =	shalt  }
0x42: {  	_ =	shalt  }
0x43: {  	_ =	shalt  }
0x44: {  	_ =	shalt  }
0x45: {  	_ =	shalt  }
0x46: {  	_ =	shalt  }
0x47: {  	_ =	shalt  }
0x48: {  	_ =	shalt  }
0x49: {  	_ =	shalt  }
0x4a: {  	_ =	shalt  }
0x4b: {  	_ =	shalt  }
0x4c: {  	_ =	shalt  }
0x4d: {  	_ =	shalt  }
0x4e: {  	_ =	shalt  }
0x4f: {  	_ =	shalt  }
0x50: {  	_ =	shalt  }
0x51: {  	_ =	shalt  }
0x52: {  	_ =	shalt  }
0x53: {  	_ =	shalt  }
0x54: {  	_ =	shalt  }
0x55: {  	_ =	shalt  }
0x56: {  	_ =	shalt  }
0x57: {  	_ =	shalt  }
0x58: {  	_ =	shalt  }
0x59: {  	_ =	shalt  }
0x5a: {  	_ =	shalt  }
0x5b: {  	_ =	shalt  }
0x5c: {  	_ =	shalt  }
0x5d: {  	_ =	shalt  }
0x5e: {  	_ =	shalt  }
0x5f: {  	_ =	shalt  }
0x60: {  	_ =	shalt  }
0x61: {  	_ =	shalt  }
0x62: {  	_ =	shalt  }
0x63: {  	_ =	shalt  }
0x64: {  	_ =	shalt  }
0x65: {  	_ =	shalt  }
0x66: {  	_ =	shalt  }
0x67: {  	_ =	shalt  }
0x68: {  	_ =	shalt  }
0x69: {  	_ =	shalt  }
0x6a: {  	_ =	shalt  }
0x6b: {  	_ =	shalt  }
0x6c: {  	_ =	shalt  }
0x6d: {  	_ =	shalt  }
0x6e: {  	_ =	shalt  }
0x6f: {  	_ =	shalt  }
0x70: {  	_ =	shalt  }
0x71: {  	_ =	shalt  }
0x72: {  	_ =	shalt  }
0x73: {  	_ =	shalt  }
0x74: {  	_ =	shalt  }
0x75: {  	_ =	shalt  }
0x76: {  	_ =	shalt  }
0x77: {  	_ =	shalt  }
0x78: {  	_ =	shalt  }
0x79: {  	_ =	shalt  }
0x7a: {  	_ =	shalt  }
0x7b: {  	_ =	shalt  }
0x7c: {  	_ =	shalt  }
0x7d: {  	_ =	shalt  }
0x7e: {  	_ =	shalt  }
0x7f: {  	_ =	shalt  }
0x80: {  	_ =	shalt  }
0x81: {  	_ =	shalt  }
0x82: {  	_ =	shalt  }
0x83: {  	_ =	shalt  }
0x84: {  	_ =	shalt  }
0x85: {  	_ =	shalt  }
0x86: {  	_ =	shalt  }
0x87: {  	_ =	shalt  }
.Lfunc_end0:
.L_simem_size_0:
called_computation_lowered:
.L_overlay_start_0:
0x88: {  	s2 =	sld [smem:$0x3FD9]  }
0x89: {  	s3 =	sld [smem:$0x3FFE];
	_ =	sdelay $0x1  }
0x8a: {  	s1 =	srdreg.scid  }
0x8b: {  	s0 =	sand.u32 $0x1, s1  }
0x8c: {  	s17 =	sshll.u32 s0, $0xA;
	s2 =	sadd.s32 s3, s2  }
0x8d: {  	s2 =	sadd.s32 s2, s17  }
0x8e: {  	[smem:$0x3FC2] =	sst s2  }
0x8f: {  	_ = 	snop  }
0x90: {  	s2 =	sld [smem:$0x3FC9]  }
0x91: {  	s18 =	sld [smem:$0x3FC8]  }
0x92: {  	s4 =	sld [smem:$0x3FD0];
	(tm) =	ssettm $0x1  }
0x93: {  	s5 =	sld [smem:$0x3FFB];
	_ =	sdelay $0x3  }
0x94: {  	_ =	strace s5  }
0x95: {  	s5 =	sld [smem:$0x3FFC];
	_ =	sdelay $0x3  }
0x96: {  	_ =	strace s5  }
0x97: {  	s5 =	sld [smem:$0x3FFD];
	_ =	sdelay $0x3  }
0x98: {  	_ =	strace s5  }
0x99: {  	_ =	strace $0x8FFFFFFF  }
0x9a: {  	s19 =	sld [smem:$0x3FDB];
	_ =	sdelay $0x1  }
0x9b: {  	s6 =	simm.s32 $_scs_section_size  }
0x9c: {  	s7 =	simm.s32 $_size__tile_overlayer_lowered;
	s8 =	simm.s32 $_tile_overlayer_lowered  }
0x9d: {  	s22 =	simm.s32 $0x1BFF;
	s21 =	sshll.u32 s8, $0x1;
	s5 =	sadd.s32 s6, s19  }
0x9e: {  	s9 =	simm.s32 $0x0;
	s20 =	sshll.u32 s7, $0x1;
	s7 =	sadd.s32 s21, s5  }
0x9f: {  	[timem:s9], [sflag:s22] =	dma.local [hbm:s7], s20  }
0xa0: {  	_ =	swait.ge [sflag:s22], s20  }
0xa1: {  	s6 =	ssub.s32 $0x0, s20;
	[sflag:s22] =	ssyncset.done $0x0  }
0xa2: {  	[sflag:s22] =	ssyncadd.s32 s6;
	_ =	sdelay $0x1  }
0xa3: {  	s23 =	simm.s32 $0x1B8B  }
0xa4: {  	_ =	swait.ge [sflag:s23], $0x1  }
0xa5: {  	[sflag:s23] =	ssyncset.done $0x0  }
0xa6: {  	s25 =	simm.s32 $0x1B8E;
	s24 =	sld [smem:$0x3FFE];
	[sflag:s23] =	ssyncadd.s32 $0xFFFFFFFF  }
0xa7: {  	s26 =	simm.s32 $execute0_lowered;
	[smem:$0x3FD2] =	sst s25  }
0xa8: {  	s7 =	sshll.u32 s26, $0x1;
	_ =	strace $0x80000046;
	[dreg:$0x1] =	wrdreg $0xFFFFFFFF  }
0xa9: {  	s28 =	simm.s32 $_size_execute0_lowered;
	s5 =	sadd.s32 s5, s7;
	[dreg:$0x0] =	wrdreg $0x0  }
0xaa: {  	s7 =	sshll.u32 s28, $0x1;
	[dreg:$0x2] =	wrdreg s5  }
0xab: {  	[dreg:$0x3] =	wrdreg s7  }
0xac: {  	[dreg:$0x4] =	wrdreg $0xC0  }
0xad: {  	_ =	task [dreg:s9], $0x5FFFF  }
0xae: {  	[dreg:$0x1] =	wrdreg $0xFFFFFFFF  }
0xaf: {  	[dreg:$0x0] =	wrdreg $0x60  }
0xb0: {  	[dreg:$0x2] =	wrdreg s2  }
0xb1: {  	[dreg:$0x3] =	wrdreg s18  }
0xb2: {  	[dreg:$0x4] =	wrdreg s24  }
0xb3: {  	[dreg:$0x5] =	wrdreg s4  }
0xb4: {  	[dreg:$0x6] =	wrdreg $0x9  }
0xb5: {  	_ =	task.clear_ibuf [dreg:s9], $0x7FFFF;
	_ =	strace $0x90000046  }
0xb6: {  	s29 =	simm.s32 $0x9;
	_ =	strace $0x80000048  }
0xb7: {  	_ =	swait.ge [sflag:s29], $0x1  }
0xb8: {  	[sflag:s29] =	ssyncadd.s32 $0xFFFFFFFF  }
0xb9: {  	_ =	strace $0x90000048  }
0xba: {  	_ =	sfence  }
0xbb: {  	s30 =	sld [smem:$0x0];
	_ =	sdelay $0x2  }
0xbc: {  	s31 =	sshll.u32 s1, $0xD;
	s1 =	sshrl.u32 s1, $0x2  }
0xbd: {  	s3 =	sand.u32 $0x4000, s31;
	s1 =	sadd.s32 s1, s30  }
0xbe: {  	s0 =	sor.u32 s3, s0;
	s1 =	sshll.u32 s1, $0x11  }
0xbf: {  	s0 =	sor.u32 s1, s0  }
0xc0: {  	s0 =	sadd.s32 $0x8F2B, s0  }
0xc1: {  	[sflag:s0] =	ssyncadd.remote.s32 $0x1  }
0xc2: {  	_ =	sfence.sel $0xFFFF  }
0xc3: {  	[dreg:$0x0] =	wrdreg $0xFFFFFFFF;
	(pc) =	sbr.abs _section_cstart, $3  }
0xc4: {  	[dreg:$0x1] =	wrdreg $0xFFFFFFFF  }
0xc5: {  	_ =	task.clear_ibuf [dreg:s9], $0x2FFFF;
	_ =	strace $0x9FFFFFFF  }
0xc6: {  	(tm) =	ssettm $0x7FFFFFFF  }
0xc7: {  	_ =	shalt  }
tec
execute0_lowered:
.L_overlay_start_1:
0x0: {  	(tag) =	ssettag $0x1  }
0x1: {  	s7 =	rddreg [dreg:$0x0]  }
0x2: {  	s8 =	rddreg [dreg:$0x1]  }
0x3: {  	s1 =	rddreg [dreg:$0x2]  }
0x4: {  	s9 =	rddreg [dreg:$0x3]  }
0x5: {  	s0 =	rddreg [dreg:$0x4];
	s2 =	simm.s32 $0x0  }
0x6: {  	s5 =	srdreg.scid;
	s3 =	stileid.u32;
	s13 =	simm.s32 $0x400  }
0x7: {  	s14 =	simm.s32 $0x8400;
	s15 =	simm.s32 $0x10400;
	s16 =	simm.s32 $0x10600  }
0x8: {  	s17 =	simm.s32 $0x1;
	s18 =	simm.s32 $0x10800;
	s19 =	simm.s32 $0x0  }
0x9: {  	[smem:$0x7FF] =	sst s2;
	s4 =	sadd.s32 $0x16E3600, s1;
	s5 =	sand.u32 $0x1, s5  }
0xa: {  	s6 =	sshll.u32 s3, $0x7;
	_ =	strace $0x80000047;
	s10 =	ssub.s32 $0x2, s5  }
0xb: {  	s11 =	sshll.u32 s5, $0x6;
	s5 =	sadd.s32 $0xF42400, s1;
	s12 =	sshrl.u32 s10, $0x1  }
0xc: {  	s11 =	sor.u32 s11, s6;
	s6 =	sadd.s32 $0x1EA00, s1;
	s10 =	ssub.s32 s10, s12  }
0xd: {  	s7 =	sadd.s32 s7, s11;
	s8 =	sadd.s32 s8, s11;
	s9 =	sadd.s32 s9, s11  }
0xe: {  	s11 =	simm.s32 $0x2;
	s12 =	simm.s32 $0x200;
	s10 =	smax.u32 s10, $0x1  }
.LBB2_1:
0xf: {  	[tilespmem:s2], [sflag:$0x2] =	stream.linear.gather [hbm4b:s7+s2], $0x200, $0x38;
	[tilespmem:$0x10A00] =	vst v63  }
0x10: {  	_ =	swait.ge [sflag:s11], $0x200  }
0x11: {  	[sflag:s11] =	ssyncset.done $0x0  }
0x12: {  	[sflag:s11] =	ssyncadd.s32 $0xFFFFFE00  }
0x13: {  	[tilespmem:s12], [sflag:$0x2] =	stream.linear.gather [hbm4b:s8+s2], $0x200, $0x38;
	[tilespmem:$0x10A00] =	vst v63  }
0x14: {  	_ =	swait.ge [sflag:s11], $0x200  }
0x15: {  	[sflag:s11] =	ssyncset.done $0x0  }
0x16: {  	[sflag:s11] =	ssyncadd.s32 $0xFFFFFE00  }
0x17: {  	[tilespmem:s13], [sflag:$0x1] =	stream.indirect.gather [hbm4b:s4+s12], $0x40, s2, s12, $0xb8;
	[tilespmem:$0x10A00] =	vst v63  }
0x18: {  	_ = 	snop  }
0x19: {  	[tilespmem:s14], [sflag:$0x1] =	stream.indirect.gather [hbm4b:s5+s12], $0x40, s12, s12, $0xb8;
	[tilespmem:$0x10A00] =	vst v63  }
0x1a: {  	_ = 	snop  }
0x1b: {  	[tilespmem:s15], [sflag:$0x1] =	stream.indirect.gather [hbm4b:s6+s12], $0x1, s2, s12, $0xb8;
	[tilespmem:$0x10A00] =	vst v63  }
0x1c: {  	_ = 	snop  }
0x1d: {  	[tilespmem:s16], [sflag:$0x1] =	stream.indirect.gather [hbm4b:s1+s12], $0x1, s12, s12, $0xb8;
	[tilespmem:$0x10A00] =	vst v63  }
0x1e: {  	_ =	swait.ge [sflag:s17], $0x8000  }
0x1f: {  	[sflag:s17] =	ssyncset.done $0x0  }
0x20: {  	[sflag:s17] =	ssyncadd.s32 $0xFFFF8000  }
0x21: {  	_ =	swait.ge [sflag:s17], $0x8000  }
0x22: {  	[sflag:s17] =	ssyncset.done $0x0  }
0x23: {  	[sflag:s17] =	ssyncadd.s32 $0xFFFF8000  }
0x24: {  	_ =	swait.ge [sflag:s17], $0x200  }
0x25: {  	[sflag:s17] =	ssyncset.done $0x0  }
0x26: {  	[sflag:s17] =	ssyncadd.s32 $0xFFFFFE00  }
0x27: {  	_ =	swait.ge [sflag:s17], $0x200  }
0x28: {  	[sflag:s17] =	ssyncset.done $0x0  }
0x29: {  	s20 =	simm.s32 $0x0;
	[sflag:s17] =	ssyncadd.s32 $0xFFFFFE00  }
0x2a: {  	v0 =	vld [tilespmem:s20+$0x10400]  }
0x2b: {  	s21 =	simm.s32 $0x40;
	v1 =	vld [tilespmem:s20+$0x10600]  }
.LBB2_2:
0x2c: {  	_ = 	snop  }
0x2d: {  	p0 =	sne.s32 s21, $0x7C0  }
.Ltmp0:
0x2e: {  	_ = 	snop;
	(pc) =	sbr.rel @p0 .LBB2_2-.Ltmp0, $4  }
0x2f: {  	_ = 	snop  }
0x30: {  	s22 =	sshra.s32 s21, $0x2;
	v2 =	vadd.f32 v1, v0  }
0x31: {  	v0 =	vld [tilespmem:s22+$0x10400]  }
0x32: {  	s21 =	sadd.s32 $0x40, s21;
	v1 =	vld [tilespmem:s22+$0x10600];
	[tilespmem:s20+$0x10800] =	vst v2;
	s20 =	smov.u32 s22  }
0x33: {  	_ =	sdelay $0x3  }
0x34: {  	v0 =	vadd.f32 v1, v0;
	_ =	sdelay $0x1  }
0x35: {  	s21 =	simm.s32 $0x480;
	[tilespmem:s20+$0x10800] =	vst v0  }
0x36: {  	s20 =	simm.s32 $0x8480;
	v0 =	vld [tilespmem:s21+$0xFFFFFF80]  }
0x37: {  	v1 =	vld [tilespmem:s20+$0xFFFFFF90]  }
0x38: {  	v2 =	vld [tilespmem:s21+$0xFFFFFF90]  }
0x39: {  	v3 =	vld [tilespmem:s20+$0xFFFFFF80]  }
0x3a: {  	v4 =	vld [tilespmem:s20+$0xFFFFFFA0]  }
0x3b: {  	v5 =	vld [tilespmem:s21+$0xFFFFFFA0]  }
0x3c: {  	v6 =	vld [tilespmem:s20+$0xFFFFFFB0]  }
0x3d: {  	s22 =	simm.s32 $0x0;
	v7 =	vld [tilespmem:s21+$0xFFFFFFB0]  }
0x3e: {  	v1 =	vmul.f32 v1, v2;
	v0 =	vmul.f32 v3, v0;
	v2 =	vmov s22  }
0x3f: {  	v2 =	vand.u32 $0xFFFFFFFC, v2  }
0x40: {  	v0 =	vadd.f32 v1, v0;
	v1 =	vmul.f32 v4, v5;
	v2 =	vbroadcast v2, $0x0;
	_ =	sdelay $0x1  }
0x41: {  	v0 =	vadd.f32 v1, v0;
	v1 =	vmul.f32 v6, v7;
	_ =	sdelay $0x1  }
0x42: {  	v0 =	vadd.f32 v1, v0;
	_ =	sdelay $0x1  }
0x43: {  	[tilespmem:v2+s18+$0x0] =	vst.idx.add.f32.msk $0xffff, v0  }
0x44: {  	v0 =	vld [tilespmem:s20+$0xFFFFFFD0]  }
0x45: {  	v1 =	vld [tilespmem:s21+$0xFFFFFFC0]  }
0x46: {  	v2 =	vld [tilespmem:s21+$0xFFFFFFD0]  }
0x47: {  	v3 =	vld [tilespmem:s20+$0xFFFFFFC0]  }
0x48: {  	v4 =	vld [tilespmem:s20+$0xFFFFFFE0]  }
0x49: {  	v5 =	vld [tilespmem:s21+$0xFFFFFFE0]  }
0x4a: {  	v6 =	vld [tilespmem:s20+$0xFFFFFFF0]  }
0x4b: {  	s23 =	simm.s32 $0x1;
	v7 =	vld [tilespmem:s21+$0xFFFFFFF0]  }
0x4c: {  	v0 =	vmul.f32 v0, v2;
	v1 =	vmul.f32 v3, v1;
	v2 =	vmov s23  }
0x4d: {  	v2 =	vand.u32 $0xFFFFFFFD, v2  }
0x4e: {  	v0 =	vadd.f32 v0, v1;
	v1 =	vmul.f32 v4, v5;
	v2 =	vbroadcast v2, $0x0;
	_ =	sdelay $0x1  }
0x4f: {  	v0 =	vadd.f32 v1, v0;
	v1 =	vmul.f32 v6, v7;
	_ =	sdelay $0x1  }
0x50: {  	v0 =	vadd.f32 v1, v0;
	_ =	sdelay $0x1  }
0x51: {  	[tilespmem:v2+s18+$0x0] =	vst.idx.add.f32.msk $0xffff, v0  }
0x52: {  	v0 =	vld [tilespmem:s21+$0x0]  }
0x53: {  	v1 =	vld [tilespmem:s20+$0x0]  }
0x54: {  	v2 =	vld [tilespmem:s20+$0x10]  }
0x55: {  	v3 =	vld [tilespmem:s21+$0x10]  }
0x56: {  	v4 =	vld [tilespmem:s20+$0x20]  }
0x57: {  	v5 =	vld [tilespmem:s21+$0x20]  }
0x58: {  	v6 =	vld [tilespmem:s20+$0x30]  }
0x59: {  	s31 =	simm.s32 $0x2;
	v7 =	vld [tilespmem:s21+$0x30]  }
0x5a: {  	v0 =	vmul.f32 v1, v0;
	v1 =	vmul.f32 v2, v3;
	v2 =	vmov s31  }
0x5b: {  	v2 =	vand.u32 $0xFFFFFFFE, v2  }
0x5c: {  	v0 =	vadd.f32 v1, v0;
	v1 =	vmul.f32 v4, v5;
	v2 =	vbroadcast v2, $0x0;
	_ =	sdelay $0x1  }
0x5d: {  	v0 =	vadd.f32 v1, v0;
	v1 =	vmul.f32 v6, v7;
	_ =	sdelay $0x1  }
0x5e: {  	v0 =	vadd.f32 v1, v0;
	_ =	sdelay $0x1  }
0x5f: {  	[tilespmem:v2+s18+$0x0] =	vst.idx.add.f32.msk $0xffff, v0  }
0x60: {  	v0 =	vld [tilespmem:s21+$0x60]  }
0x61: {  	v2 =	vld [tilespmem:s21+$0x40]  }
0x62: {  	v3 =	vld [tilespmem:s20+$0x60]  }
0x63: {  	v4 =	vld [tilespmem:s20+$0x50]  }
0x64: {  	v6 =	vld [tilespmem:s20+$0x40]  }
0x65: {  	v5 =	vld [tilespmem:s21+$0x50]  }
0x66: {  	s23 =	simm.s32 $0x4;
	v1 =	vld [tilespmem:s21+$0x70]  }
.LBB2_4:
0x67: {  	p0 =	slt.u32 s23, $0x1FC;
	v7 =	vld [tilespmem:s20+$0x70];
	s20 =	sadd.s32 $0x100, s20;
	s21 =	sadd.s32 $0x100, s21  }
0x68: {  	s24 =	smov.u32 s23;
	s23 =	sadd.s32 $0x4, s23  }
0x69: {  	v0 =	vmul.f32 v3, v0;
	v2 =	vmul.f32 v6, v2  }
0x6a: {  	v3 =	vmul.f32 v4, v5  }
0x6b: {  	s25 =	sadd.s32 $0x3, s22;
	s22 =	smov.u32 s24  }
0x6c: {  	v2 =	vadd.f32 v3, v2;
	v3 =	vmov s25  }
0x6d: {  	v1 =	vmul.f32 v7, v1  }
0x6e: {  	v0 =	vadd.f32 v0, v2;
	_ =	sdelay $0x1  }
0x6f: {  	v0 =	vadd.f32 v1, v0;
	_ =	sdelay $0x1  }
0x70: {  	[tilespmem:v3+s18+$0x0] =	vst.idx.add.f32.msk $0xffff, v0  }
0x71: {  	v0 =	vld [tilespmem:s21+$0xFFFFFF80]  }
0x72: {  	v1 =	vld [tilespmem:s20+$0xFFFFFF90]  }
0x73: {  	v2 =	vld [tilespmem:s21+$0xFFFFFF90]  }
0x74: {  	v3 =	vld [tilespmem:s20+$0xFFFFFF80]  }
0x75: {  	v4 =	vld [tilespmem:s20+$0xFFFFFFA0]  }
0x76: {  	v5 =	vld [tilespmem:s21+$0xFFFFFFA0]  }
0x77: {  	v6 =	vld [tilespmem:s20+$0xFFFFFFB0]  }
0x78: {  	v1 =	vmul.f32 v1, v2;
	v2 =	vld [tilespmem:s21+$0xFFFFFFB0]  }
0x79: {  	v0 =	vmul.f32 v3, v0;
	v3 =	vmov s22  }
0x7a: {  	v3 =	vand.u32 $0xFFFFFFFC, v3  }
0x7b: {  	v0 =	vadd.f32 v1, v0;
	v1 =	vmul.f32 v4, v5;
	v3 =	vbroadcast v3, $0x0;
	_ =	sdelay $0x1  }
0x7c: {  	v0 =	vadd.f32 v1, v0;
	v1 =	vmul.f32 v6, v2;
	_ =	sdelay $0x1  }
0x7d: {  	v0 =	vadd.f32 v1, v0;
	_ =	sdelay $0x1  }
0x7e: {  	[tilespmem:v3+s18+$0x0] =	vst.idx.add.f32.msk $0xffff, v0  }
0x7f: {  	v0 =	vld [tilespmem:s20+$0xFFFFFFD0]  }
0x80: {  	v1 =	vld [tilespmem:s21+$0xFFFFFFC0]  }
0x81: {  	v2 =	vld [tilespmem:s21+$0xFFFFFFD0]  }
0x82: {  	v3 =	vld [tilespmem:s20+$0xFFFFFFC0]  }
0x83: {  	v4 =	vld [tilespmem:s20+$0xFFFFFFE0]  }
0x84: {  	v5 =	vld [tilespmem:s21+$0xFFFFFFE0]  }
0x85: {  	v6 =	vld [tilespmem:s20+$0xFFFFFFF0]  }
0x86: {  	s24 =	sadd.s32 $0x1, s22;
	v0 =	vmul.f32 v0, v2;
	v2 =	vld [tilespmem:s21+$0xFFFFFFF0]  }
0x87: {  	v1 =	vmul.f32 v3, v1;
	v3 =	vmov s24  }
0x88: {  	v3 =	vand.u32 $0xFFFFFFFD, v3  }
0x89: {  	v0 =	vadd.f32 v0, v1;
	v1 =	vmul.f32 v4, v5;
	v3 =	vbroadcast v3, $0x0;
	_ =	sdelay $0x1  }
0x8a: {  	v0 =	vadd.f32 v1, v0;
	v1 =	vmul.f32 v6, v2;
	_ =	sdelay $0x1  }
0x8b: {  	v0 =	vadd.f32 v1, v0;
	_ =	sdelay $0x1  }
0x8c: {  	[tilespmem:v3+s18+$0x0] =	vst.idx.add.f32.msk $0xffff, v0  }
0x8d: {  	v0 =	vld [tilespmem:s21+$0x0]  }
0x8e: {  	v1 =	vld [tilespmem:s20+$0x0]  }
0x8f: {  	v2 =	vld [tilespmem:s20+$0x10]  }
0x90: {  	v3 =	vld [tilespmem:s21+$0x10]  }
0x91: {  	v4 =	vld [tilespmem:s20+$0x20]  }
0x92: {  	v5 =	vld [tilespmem:s21+$0x20]  }
0x93: {  	v0 =	vmul.f32 v1, v0;
	v1 =	vld [tilespmem:s20+$0x30]  }
0x94: {  	s24 =	sadd.s32 $0x2, s22;
	v6 =	vld [tilespmem:s21+$0x30]  }
0x95: {  	v2 =	vmul.f32 v2, v3;
	v3 =	vmov s24  }
0x96: {  	v3 =	vand.u32 $0xFFFFFFFE, v3  }
0x97: {  	v0 =	vadd.f32 v2, v0;
	v2 =	vmul.f32 v4, v5;
	v3 =	vbroadcast v3, $0x0;
	_ =	sdelay $0x1  }
0x98: {  	v0 =	vadd.f32 v2, v0;
	v1 =	vmul.f32 v1, v6;
	_ =	sdelay $0x1  }
0x99: {  	v0 =	vadd.f32 v1, v0;
	_ =	sdelay $0x1  }
0x9a: {  	[tilespmem:v3+s18+$0x0] =	vst.idx.add.f32.msk $0xffff, v0  }
0x9b: {  	v0 =	vld [tilespmem:s21+$0x60]  }
0x9c: {  	v2 =	vld [tilespmem:s21+$0x40]  }
.Ltmp1:
0x9d: {  	v3 =	vld [tilespmem:s20+$0x60];
	(pc) =	sbr.rel @p0 .LBB2_4-.Ltmp1, $4  }
0x9e: {  	v4 =	vld [tilespmem:s20+$0x50]  }
0x9f: {  	v6 =	vld [tilespmem:s20+$0x40]  }
0xa0: {  	v5 =	vld [tilespmem:s21+$0x50]  }
0xa1: {  	v1 =	vld [tilespmem:s21+$0x70]  }
0xa2: {  	_ =	sdelay $0x1  }
0xa3: {  	v7 =	vld [tilespmem:s20+$0x70]  }
0xa4: {  	v2 =	vmul.f32 v6, v2;
	v4 =	vmul.f32 v4, v5;
	_ =	sdelay $0x1  }
0xa5: {  	v0 =	vmul.f32 v3, v0;
	s31 =	sadd.s32 $0x3, s22;
	v2 =	vadd.f32 v4, v2  }
0xa6: {  	v63 =	vmov s31  }
0xa7: {  	v1 =	vmul.f32 v7, v1;
	v0 =	vadd.f32 v0, v2;
	_ =	sdelay $0x1  }
0xa8: {  	s19 =	sadd.s32 $0x1, s19;
	v0 =	vadd.f32 v1, v0  }
0xa9: {  	p0 =	sne.s32 s19, s10  }
.Ltmp2:
0xaa: {  	[tilespmem:v63+s18+$0x0] =	vst.idx.add.f32.msk $0xffff, v0;
	(pc) =	sbr.rel @p0 .LBB2_1-.Ltmp2, $4  }
0xab: {  	[hbm4b:s9+s2] =	stream.linear.scatter [tilespmem:s18], [sflag:$0x2], $0x200, $0x38;
	[tilespmem:$0x10A00] =	vst v63  }
0xac: {  	_ =	swait.ge [sflag:s11], $0x200  }
0xad: {  	[sflag:s11] =	ssyncset.done $0x0  }
0xae: {  	[sflag:s11] =	ssyncadd.s32 $0xFFFFFE00  }
0xaf: {  	_ =	sfence.sel $0x180000  }
0xb0: {  	[bflag:$0x0] =	sbarrier.arrive $0xFFFF  }
0xb1: {  	p0 =	sne.s32 s3, $0x0;
	_ =	strace $0x90000047  }
0xb2: {  	s0 =	sadd.s32 @!p0 $0x100000, s0;
	[bflag:$0x2] =	sbarrier.arrive $0xFFFF  }
0xb3: {  	[sflag:s0] =	ssyncadd.tile.s32 @!p0 $0x1;
	_ =	shalt  }
.Lfunc_end2:
_tile_overlayer_lowered:
.L_overlay_start_2:
0xb4: {  	(tag) =	ssettag $0x2  }
0xb5: {  	s0 =	rddreg [dreg:$0x0];
	s2 =	stileid.u32  }
0xb6: {  	s1 =	rddreg [dreg:$0x1];
	p0 =	sne.s32 s2, $0x0  }
0xb7: {  	s3 =	rddreg [dreg:$0x2];
	[bflag:$0x3] =	sbarrier.arrive $0xFFFF;
	s2 =	simm.s32 @!p0 $0x1C02  }
0xb8: {  	[timem:s3], [sflag:s2] =	dma.local @!p0 [hbm:s0], s1  }
0xb9: {  	s0 =	simm.s32 @!p0 $0x2  }
0xba: {  	_ =	swait.ge @!p0 [sflag:s0], s1  }
0xbb: {  	s1 =	ssub.s32 @!p0 $0x0, s1;
	[sflag:s0] =	ssyncset.done @!p0 $0x0  }
0xbc: {  	[sflag:s0] =	ssyncadd.s32 @!p0 s1  }
0xbd: {  	[bflag:$0x3] =	sbarrier.arrive $0xFFFF  }
0xbe: {  	_ =	shalt  }

</sc_bundles>
